<compile_context>
chip_gen: v7x
topology: tpu7x:2x2x1
jax: 0.10.2.dev20260603
libtpu: 0.0.44.dev20260713+nightly
codegen_flags: <defaults>
</compile_context>

<pallas_src>
import functools

import jax
import jax.numpy as jnp
from jax import lax
from jax.experimental import pallas as pl
from jax.experimental.pallas import tpu as pltpu
from jax.experimental.pallas import tpu_sc as plsc

_K = 1024
_D = 64
_N = 576
_B = 16
_BPG = 4
_NG = _N * _BPG


def _nearest_body(x_ref, e_ref, idx_ref, loss_ref):
    x = jnp.concatenate([x_ref[i] for i in range(_BPG)], axis=1)
    e = e_ref[...]
    x2 = x * x
    x3 = x2 * x
    e2 = e * e
    e3 = e2 * e
    c4 = jnp.sum(e2 * e2, axis=1, keepdims=True)

    e_cat = jnp.concatenate([e, e2, e3], axis=1)
    xs = jnp.concatenate([-4.0 * x3, 6.0 * x2, -4.0 * x], axis=0)
    a_h = e_cat.astype(jnp.bfloat16)
    a_l = (e_cat - a_h.astype(jnp.float32)).astype(jnp.bfloat16)
    b_h = xs.astype(jnp.bfloat16)
    b_l = (xs - b_h.astype(jnp.float32)).astype(jnp.bfloat16)
    c4_h = c4.astype(jnp.bfloat16)
    c4_l = (c4 - c4_h.astype(jnp.float32)).astype(jnp.bfloat16)
    ones2 = jnp.ones((2, _NG), jnp.bfloat16)
    a_cat = jnp.concatenate([a_h, a_l, a_h, a_l, c4_h, c4_l], axis=1)
    b_cat = jnp.concatenate([b_h, b_l, b_l, b_h, ones2], axis=0)
    s = jnp.dot(a_cat, b_cat, preferred_element_type=jnp.float32)

    e_h = e.astype(jnp.bfloat16)
    r = e - e_h.astype(jnp.float32)
    e_m = r.astype(jnp.bfloat16)
    e_l = (r - e_m.astype(jnp.float32)).astype(jnp.bfloat16)

    rows = lax.broadcasted_iota(jnp.int32, (_K, _NG), 0)

    m = jnp.min(s, axis=0, keepdims=True)
    z = jnp.maximum(s - m, 0.0) + 1.0
    key = (lax.bitcast_convert_type(z, jnp.int32) & ~(_K - 1)) | rows
    k1 = jnp.min(key, axis=0, keepdims=True)
    eq1 = key == k1
    key2 = jnp.where(eq1, jnp.iinfo(jnp.int32).max, key)
    k2 = jnp.min(key2, axis=0, keepdims=True)

    gather_dot = functools.partial(
        lax.dot_general,
        dimension_numbers=(((0,), (0,)), ((), ())),
        preferred_element_type=jnp.float32,
    )
    ep = jnp.concatenate([e_h, e_m, e_l], axis=1)
    best_d4 = None
    best_d2 = None
    best_idx = None
    for c, (eq, cand) in enumerate([(eq1, k1 & (_K - 1)),
                                    (key2 == k2, k2 & (_K - 1))]):
        onehot = eq.astype(jnp.bfloat16)
        g = gather_dot(ep, onehot)
        cand_vec = (g[0:_D] + g[_D:2 * _D]) + g[2 * _D:]
        diff = x - cand_vec
        d2 = diff * diff
        d2s = jnp.sum(d2, axis=0, keepdims=True)
        d4s = jnp.sum(d2 * d2, axis=0, keepdims=True)
        if c == 0:
            best_d4, best_d2, best_idx = d4s, d2s, cand
        else:
            take = (d4s < best_d4) | ((d4s == best_d4) & (cand < best_idx))
            best_d2 = jnp.where(take, d2s, best_d2)
            best_idx = jnp.where(take, cand, best_idx)

    idx_ref[0, 0, :] = best_idx[0]
    loss_ref[0, 0, :] = jnp.broadcast_to(jnp.sum(best_d2), (128,))


def _nearest_code_tc(x_cf, embed):
    grid = x_cf.shape[0] // _BPG
    return pl.pallas_call(
        _nearest_body,
        grid=(grid,),
        in_specs=[
            pl.BlockSpec((_BPG, _D, _N), lambda b: (b, 0, 0)),
            pl.BlockSpec((_K, _D), lambda b: (0, 0)),
        ],
        out_specs=[
            pl.BlockSpec((1, 1, _NG), lambda b: (b, 0, 0)),
            pl.BlockSpec((1, 1, 128), lambda b: (b, 0, 0)),
        ],
        out_shape=[
            jax.ShapeDtypeStruct((grid, 1, _NG), jnp.int32),
            jax.ShapeDtypeStruct((grid, 1, 128), jnp.float32),
        ],
    )(x_cf, embed)


_DP = 128


@functools.lru_cache(maxsize=None)
def _get_sc_lookup(n_rows):
    info = plsc.get_sparse_core_info()
    nc = info.num_cores
    nw = nc * info.num_subcores
    b_per_w = n_rows // nw

    @functools.partial(
        pl.kernel,
        mesh=plsc.VectorSubcoreMesh(core_axis_name="c", subcore_axis_name="s"),
        out_type=jax.ShapeDtypeStruct((n_rows, _D), jnp.float32),
        scratch_types=[
            pltpu.VMEM((b_per_w,), jnp.int32),
            pltpu.VMEM((b_per_w, _D), jnp.float32),
            pltpu.SemaphoreType.DMA,
        ],
        compiler_params=pltpu.CompilerParams(use_tc_tiling_on_sc=False),
    )
    def _sc_lookup(table_hbm, idx_hbm, out_hbm, idx_v, rows_v, sem):
        wid = lax.axis_index("s") * nc + lax.axis_index("c")
        base = wid * b_per_w
        pltpu.sync_copy(idx_hbm.at[pl.ds(base, b_per_w)], idx_v)
        pltpu.async_copy(table_hbm.at[idx_v], rows_v, sem).wait()
        pltpu.sync_copy(rows_v, out_hbm.at[pl.ds(base, b_per_w)])

    return _sc_lookup


def kernel(inputs, embed):
    inputs = inputs.astype(jnp.float32)
    B, C, H, W = inputs.shape
    x_cf = inputs.reshape(B, C, H * W)
    idx3, loss_parts = _nearest_code_tc(x_cf, embed)
    idx_flat = idx3.reshape(B * H * W)
    quantized = _get_sc_lookup(B * H * W)(embed, idx_flat)
    quantized = quantized.reshape(B, H, W, C).transpose(0, 3, 1, 2)
    encoding_indices = idx3.reshape(B, H, W)
    loss = 0.25 * (jnp.sum(loss_parts[:, 0, 0]) / (B * C * H * W))
    return (quantized, encoding_indices, loss)

# --- scband reference (transcript-rebuilt; emitter-appended) ---
"""Pipeline reference for scband-emavector-quantizer-15908558865422 (READ-ONLY COPY).

The authoritative reference and input builder live on the scoring server;
editing this copy changes nothing except your own understanding.
"""

import jax, jax.numpy as jnp
import numpy as np

NUM_EMBEDDINGS = 1024
EMBED_DIM = 64
COMMITMENT_COST = 0.25
CHUNK = 1024

def setup_inputs(seed: int = 0) -> dict:
    key = jax.random.key(seed)
    k1, k2 = jax.random.split(key)
    inputs = jax.random.normal(k1, (16, 64, 24, 24), dtype=jnp.float32)
    embed = jax.random.normal(k2, (NUM_EMBEDDINGS, EMBED_DIM), dtype=jnp.float32)
    return {"inputs": inputs, "embed": embed}

def _nearest_code(flat, embed):
    # torch.cdist(flat, embed, p=ndim) with ndim=4 -> p=4 norm.
    # argmin of (sum |diff|^4)^(1/4) == argmin of sum diff^4.
    n, d = flat.shape
    pad = (-n) % CHUNK
    flat_p = jnp.pad(flat, ((0, pad), (0, 0)))
    chunks = flat_p.reshape(-1, CHUNK, d)
    def per_chunk(c):
        diff = c[:, None, :] - embed[None, :, :]
        dist4 = jnp.sum(diff ** 4, axis=-1)
        return jnp.argmin(dist4, axis=1)
    idx = jax.lax.map(per_chunk, chunks).reshape(-1)[:n]
    return idx

def reference(inputs, embed):
    # eval-mode forward (no EMA update, first_pass init is a training-only branch)
    inputs = inputs.astype(jnp.float32)
    B, C, H, W = inputs.shape
    channel_last = jnp.transpose(inputs, (0, 2, 3, 1))
    input_shape = channel_last.shape
    flat_input = channel_last.reshape(-1, C)
    encoding_indices = _nearest_code(flat_input, embed)
    quantized = jnp.take(embed, encoding_indices, axis=0).reshape(input_shape)
    quantized = jnp.transpose(quantized, (0, 3, 1, 2))
    encoding_indices = encoding_indices.reshape(input_shape[:-1])
    quantized_sg = jax.lax.stop_gradient(quantized)
    e_latent_loss = jnp.mean((quantized_sg - inputs) ** 2)
    loss = COMMITMENT_COST * e_latent_loss
    quantized_st = inputs + jax.lax.stop_gradient(quantized - inputs)
    return (quantized_st, encoding_indices, loss)

if __name__ == "__main__":
    import jax
    _d = setup_inputs()
    print(jax.jit(kernel)(*tuple(_d.values())))

</pallas_src>

<mosaic_0001>
#map = affine_map<(d0, d1) -> (0, 0)>
#map1 = affine_map<(d0, d1) -> (0)>
module attributes {stable_mosaic.version = 14 : i64} {
  func.func @_sc_lookup(%arg0: i32, %arg1: i32, %arg2: memref<1024x64xf32, #tpu.memory_space<hbm>>, %arg3: memref<9216xi32, #tpu.memory_space<hbm>>, %arg4: memref<9216x64xf32, #tpu.memory_space<hbm>>, %arg5: memref<288xi32, #tpu.memory_space<vmem>>, %arg6: memref<288x64xf32, #tpu.memory_space<vmem>>, %arg7: memref<!tpu.dma_semaphore, #tpu.memory_space<semaphore_mem>>) attributes {dimension_semantics = [#tpu.dimension_semantics<core_parallel>, #tpu.dimension_semantics<subcore_parallel>], iteration_bounds = array<i64: 2, 16>, scalar_prefetch = 0 : i64, scratch_operands = 3 : i64, tpu.core_type = #tpu.core_type<sc_vector_subcore>, window_params = [{transform_indices = #map}, {transform_indices = #map1}, {transform_indices = #map}]} {
    %mul3A = arith.constant 2 : i32
    %mul3A_0 = arith.muli %arg1, %mul3A : i32
    %add3A = arith.addi %mul3A_0, %arg0 : i32
    %mul3A_1 = arith.constant 288 : i32
    %mul3A_2 = arith.muli %add3A, %mul3A_1 : i32
    "tpu.region"() ({
      %run_scoped3A = tpu.sem_alloc : memref<!tpu.dma_semaphore, #tpu.memory_space<semaphore_mem>>
      %dma_start3A_7 = tpu.memref_slice %arg3[%mul3A_2] : memref<9216xi32, #tpu.memory_space<hbm>> -> memref<288xi32, #tpu.memory_space<hbm>>
      %dma_start3A_8 = tpu.memref_slice %arg3[%mul3A_2] : memref<9216xi32, #tpu.memory_space<hbm>> -> memref<288xi32, #tpu.memory_space<hbm>>
      tpu.enqueue_dma source(%dma_start3A_8 : memref<288xi32, #tpu.memory_space<hbm>>) target(%arg5 : memref<288xi32, #tpu.memory_space<vmem>>) target_semaphore(%run_scoped3A : memref<!tpu.dma_semaphore, #tpu.memory_space<semaphore_mem>>)
      %dma_wait3A_9 = tpu.memref_slice %arg3[%mul3A_2] : memref<9216xi32, #tpu.memory_space<hbm>> -> memref<288xi32, #tpu.memory_space<hbm>>
      %dma_wait3A_10 = tpu.memref_slice %arg3[%mul3A_2] : memref<9216xi32, #tpu.memory_space<hbm>> -> memref<288xi32, #tpu.memory_space<hbm>>
      tpu.wait_dma2 semaphore(%run_scoped3A : memref<!tpu.dma_semaphore, #tpu.memory_space<semaphore_mem>>) src(%dma_wait3A_10 : memref<288xi32, #tpu.memory_space<hbm>>) dst(%arg5 : memref<288xi32, #tpu.memory_space<vmem>>)
      tpu.yield
    }) : () -> ()
    %dma_start3A = arith.constant 0 : i32
    %dma_start3A_3 = arith.constant 0 : i32
    %dma_start3A_4 = tpu.memref_slice %arg2[%dma_start3A, %dma_start3A_3] : memref<1024x64xf32, #tpu.memory_space<hbm>> -> memref<1024x64xf32, #tpu.memory_space<hbm>>
    tpu.enqueue_indirect_dma source(%dma_start3A_4 : memref<1024x64xf32, #tpu.memory_space<hbm>>) target(%arg6 : memref<288x64xf32, #tpu.memory_space<vmem>>) offsets(%arg5 : memref<288xi32, #tpu.memory_space<vmem>>) semaphore(%arg7 : memref<!tpu.dma_semaphore, #tpu.memory_space<semaphore_mem>>)
    %dma_wait3A = arith.constant 0 : i32
    %dma_wait3A_5 = arith.constant 0 : i32
    %dma_wait3A_6 = tpu.memref_slice %arg2[%dma_wait3A, %dma_wait3A_5] : memref<1024x64xf32, #tpu.memory_space<hbm>> -> memref<1024x64xf32, #tpu.memory_space<hbm>>
    tpu.wait_indirect_dma semaphore(%arg7 : memref<!tpu.dma_semaphore, #tpu.memory_space<semaphore_mem>>) src(%dma_wait3A_6 : memref<1024x64xf32, #tpu.memory_space<hbm>>) dst(%arg6 : memref<288x64xf32, #tpu.memory_space<vmem>>)
    "tpu.region"() ({
      %run_scoped3A = tpu.sem_alloc : memref<!tpu.dma_semaphore, #tpu.memory_space<semaphore_mem>>
      %dma_start3A_7 = arith.constant 0 : i32
      %dma_start3A_8 = tpu.memref_slice %arg4[%mul3A_2, %dma_start3A_7] : memref<9216x64xf32, #tpu.memory_space<hbm>> -> memref<288x64xf32, #tpu.memory_space<hbm>>
      %dma_start3A_9 = arith.constant 0 : i32
      %dma_start3A_10 = tpu.memref_slice %arg4[%mul3A_2, %dma_start3A_9] : memref<9216x64xf32, #tpu.memory_space<hbm>> -> memref<288x64xf32, #tpu.memory_space<hbm>>
      tpu.enqueue_dma source(%arg6 : memref<288x64xf32, #tpu.memory_space<vmem>>) target(%dma_start3A_10 : memref<288x64xf32, #tpu.memory_space<hbm>>) target_semaphore(%run_scoped3A : memref<!tpu.dma_semaphore, #tpu.memory_space<semaphore_mem>>)
      %dma_wait3A_11 = arith.constant 0 : i32
      %dma_wait3A_12 = tpu.memref_slice %arg4[%mul3A_2, %dma_wait3A_11] : memref<9216x64xf32, #tpu.memory_space<hbm>> -> memref<288x64xf32, #tpu.memory_space<hbm>>
      %dma_wait3A_13 = arith.constant 0 : i32
      %dma_wait3A_14 = tpu.memref_slice %arg4[%mul3A_2, %dma_wait3A_13] : memref<9216x64xf32, #tpu.memory_space<hbm>> -> memref<288x64xf32, #tpu.memory_space<hbm>>
      tpu.wait_dma2 semaphore(%run_scoped3A : memref<!tpu.dma_semaphore, #tpu.memory_space<semaphore_mem>>) src(%arg6 : memref<288x64xf32, #tpu.memory_space<vmem>>) dst(%dma_wait3A_14 : memref<288x64xf32, #tpu.memory_space<hbm>>)
      tpu.yield
    }) : () -> ()
    return
  }
}

module attributes {stable_mosaic.version = 14 : i64} {
  func.func @_nearest_body(%arg0: i32, %arg1: memref<4x64x576xf32, #tpu.memory_space<vmem>>, %arg2: memref<1024x64xf32, #tpu.memory_space<vmem>>, %arg3: memref<1x1x2304xi32, #tpu.memory_space<vmem>>, %arg4: memref<1x1x128xf32, #tpu.memory_space<vmem>>) attributes {dimension_semantics = [#tpu.dimension_semantics<arbitrary>], iteration_bounds = array<i64: 4>, scalar_prefetch = 0 : i64, scratch_operands = 0 : i64, tpu.core_type = #tpu.core_type<tc>, window_params = [{transform_indices = @transform_0, window_bounds = array<i64: 4, 64, 576>}, {pipeline_mode = #tpu.pipeline_mode<synchronous>, transform_indices = @transform_1, window_bounds = array<i64: 1024, 64>}, {transform_indices = @transform_2, window_bounds = array<i64: 1, 1, 2304>}, {transform_indices = @transform_3, window_bounds = array<i64: 1, 1, 128>}]} {
    %get3A = arith.constant 0 : index
    %get3A_0 = arith.constant 0 : index
    %get3A_1 = arith.constant 0 : index
    %get3A_2 = vector.load %arg1[%get3A, %get3A_0, %get3A_1] : memref<4x64x576xf32, #tpu.memory_space<vmem>>, vector<1x64x576xf32>
    %get3A_3 = vector.shape_cast %get3A_2 : vector<1x64x576xf32> to vector<64x576xf32>
    %get3A_4 = arith.constant 1 : index
    %get3A_5 = arith.constant 0 : index
    %get3A_6 = arith.constant 0 : index
    %get3A_7 = vector.load %arg1[%get3A_4, %get3A_5, %get3A_6] : memref<4x64x576xf32, #tpu.memory_space<vmem>>, vector<1x64x576xf32>
    %get3A_8 = vector.shape_cast %get3A_7 : vector<1x64x576xf32> to vector<64x576xf32>
    %get3A_9 = arith.constant 2 : index
    %get3A_10 = arith.constant 0 : index
    %get3A_11 = arith.constant 0 : index
    %get3A_12 = vector.load %arg1[%get3A_9, %get3A_10, %get3A_11] : memref<4x64x576xf32, #tpu.memory_space<vmem>>, vector<1x64x576xf32>
    %get3A_13 = vector.shape_cast %get3A_12 : vector<1x64x576xf32> to vector<64x576xf32>
    %get3A_14 = arith.constant 3 : index
    %get3A_15 = arith.constant 0 : index
    %get3A_16 = arith.constant 0 : index
    %get3A_17 = vector.load %arg1[%get3A_14, %get3A_15, %get3A_16] : memref<4x64x576xf32, #tpu.memory_space<vmem>>, vector<1x64x576xf32>
    %get3A_18 = vector.shape_cast %get3A_17 : vector<1x64x576xf32> to vector<64x576xf32>
    %concatenate3A = tpu.concatenate %get3A_3, %get3A_8, %get3A_13, %get3A_18 in 1 : vector<64x576xf32>, vector<64x576xf32>, vector<64x576xf32>, vector<64x576xf32> -> vector<64x2304xf32>
    %get3A_19 = arith.constant 0 : index
    %get3A_20 = arith.constant 0 : index
    %get3A_21 = vector.load %arg2[%get3A_19, %get3A_20] : memref<1024x64xf32, #tpu.memory_space<vmem>>, vector<1024x64xf32>
    %mul3A = arith.mulf %concatenate3A, %concatenate3A : vector<64x2304xf32>
    %mul3A_22 = arith.mulf %mul3A, %concatenate3A : vector<64x2304xf32>
    %mul3A_23 = arith.mulf %get3A_21, %get3A_21 : vector<1024x64xf32>
    %mul3A_24 = arith.mulf %mul3A_23, %get3A_21 : vector<1024x64xf32>
    %mul3A_25 = arith.mulf %mul3A_23, %mul3A_23 : vector<1024x64xf32>
    %reduce_sum3A = arith.constant dense<0.000000e+00> : vector<1024xf32>
    %reduce_sum3A_26 = vector.multi_reduction <add>, %mul3A_25, %reduce_sum3A [1] : vector<1024x64xf32> to vector<1024xf32>
    %broadcast_in_dim3A = vector.shape_cast %reduce_sum3A_26 : vector<1024xf32> to vector<1024x1xf32>
    %concatenate3A_27 = tpu.concatenate %get3A_21, %mul3A_23, %mul3A_24 in 1 : vector<1024x64xf32>, vector<1024x64xf32>, vector<1024x64xf32> -> vector<1024x192xf32>
    %mul3A_28 = arith.constant -4.000000e+00 : f32
    %mul3A_29 = vector.broadcast %mul3A_28 : f32 to vector<64x2304xf32>
    %mul3A_30 = arith.mulf %mul3A_29, %mul3A_22 : vector<64x2304xf32>
    %mul3A_31 = arith.constant 6.000000e+00 : f32
    %mul3A_32 = vector.broadcast %mul3A_31 : f32 to vector<64x2304xf32>
    %mul3A_33 = arith.mulf %mul3A_32, %mul3A : vector<64x2304xf32>
    %mul3A_34 = arith.constant -4.000000e+00 : f32
    %mul3A_35 = vector.broadcast %mul3A_34 : f32 to vector<64x2304xf32>
    %mul3A_36 = arith.mulf %mul3A_35, %concatenate3A : vector<64x2304xf32>
    %concatenate3A_37 = tpu.concatenate %mul3A_30, %mul3A_33, %mul3A_36 in 0 : vector<64x2304xf32>, vector<64x2304xf32>, vector<64x2304xf32> -> vector<192x2304xf32>
    %convert_element_type3A = arith.truncf %concatenate3A_27 : vector<1024x192xf32> to vector<1024x192xbf16>
    %convert_element_type3A_38 = arith.extf %convert_element_type3A : vector<1024x192xbf16> to vector<1024x192xf32>
    %sub3A = arith.subf %concatenate3A_27, %convert_element_type3A_38 : vector<1024x192xf32>
    %convert_element_type3A_39 = arith.truncf %sub3A : vector<1024x192xf32> to vector<1024x192xbf16>
    %convert_element_type3A_40 = arith.truncf %concatenate3A_37 : vector<192x2304xf32> to vector<192x2304xbf16>
    %convert_element_type3A_41 = arith.extf %convert_element_type3A_40 : vector<192x2304xbf16> to vector<192x2304xf32>
    %sub3A_42 = arith.subf %concatenate3A_37, %convert_element_type3A_41 : vector<192x2304xf32>
    %convert_element_type3A_43 = arith.truncf %sub3A_42 : vector<192x2304xf32> to vector<192x2304xbf16>
    %convert_element_type3A_44 = arith.truncf %broadcast_in_dim3A : vector<1024x1xf32> to vector<1024x1xbf16>
    %convert_element_type3A_45 = arith.extf %convert_element_type3A_44 : vector<1024x1xbf16> to vector<1024x1xf32>
    %sub3A_46 = arith.subf %broadcast_in_dim3A, %convert_element_type3A_45 : vector<1024x1xf32>
    %convert_element_type3A_47 = arith.truncf %sub3A_46 : vector<1024x1xf32> to vector<1024x1xbf16>
    %broadcast_in_dim3A_48 = arith.constant 1.000000e+00 : bf16
    %broadcast_in_dim3A_49 = vector.broadcast %broadcast_in_dim3A_48 : bf16 to vector<2x2304xbf16>
    %concatenate3A_50 = tpu.concatenate %convert_element_type3A, %convert_element_type3A_39, %convert_element_type3A, %convert_element_type3A_39, %convert_element_type3A_44, %convert_element_type3A_47 in 1 : vector<1024x192xbf16>, vector<1024x192xbf16>, vector<1024x192xbf16>, vector<1024x192xbf16>, vector<1024x1xbf16>, vector<1024x1xbf16> -> vector<1024x770xbf16>
    %concatenate3A_51 = tpu.concatenate %convert_element_type3A_40, %convert_element_type3A_43, %convert_element_type3A_43, %convert_element_type3A_40, %broadcast_in_dim3A_49 in 0 : vector<192x2304xbf16>, vector<192x2304xbf16>, vector<192x2304xbf16>, vector<192x2304xbf16>, vector<2x2304xbf16> -> vector<770x2304xbf16>
    %dot_general3A = arith.constant dense<0.000000e+00> : vector<1024x2304xf32>
    %dot_general3A_52 = tpu.matmul %concatenate3A_50, %concatenate3A_51, %dot_general3A {dimension_numbers = #tpu.dot_dimension_numbers<[1], [0], [0], [1], [0, 0, 1, 1], [], []>, transpose_lhs_hint = false} : vector<1024x770xbf16>, vector<770x2304xbf16>, vector<1024x2304xf32> -> vector<1024x2304xf32>
    %convert_element_type3A_53 = arith.truncf %get3A_21 : vector<1024x64xf32> to vector<1024x64xbf16>
    %convert_element_type3A_54 = arith.extf %convert_element_type3A_53 : vector<1024x64xbf16> to vector<1024x64xf32>
    %sub3A_55 = arith.subf %get3A_21, %convert_element_type3A_54 : vector<1024x64xf32>
    %convert_element_type3A_56 = arith.truncf %sub3A_55 : vector<1024x64xf32> to vector<1024x64xbf16>
    %convert_element_type3A_57 = arith.extf %convert_element_type3A_56 : vector<1024x64xbf16> to vector<1024x64xf32>
    %sub3A_58 = arith.subf %sub3A_55, %convert_element_type3A_57 : vector<1024x64xf32>
    %convert_element_type3A_59 = arith.truncf %sub3A_58 : vector<1024x64xf32> to vector<1024x64xbf16>
    %iota3A = tpu.iota {dimensions = array<i32: 0>} : vector<1024x2304xi32>
    %reduce_min3A = arith.constant dense<0x7F800000> : vector<2304xf32>
    %reduce_min3A_60 = vector.multi_reduction <minimumf>, %dot_general3A_52, %reduce_min3A [0] : vector<1024x2304xf32> to vector<2304xf32>
    %broadcast_in_dim3A_61 = vector.shape_cast %reduce_min3A_60 : vector<2304xf32> to vector<1x2304xf32>
    %sub3A_62 = vector.broadcast %broadcast_in_dim3A_61 : vector<1x2304xf32> to vector<1024x2304xf32>
    %sub3A_63 = arith.subf %dot_general3A_52, %sub3A_62 : vector<1024x2304xf32>
    %max3A = arith.constant 0.000000e+00 : f32
    %max3A_64 = vector.broadcast %max3A : f32 to vector<1024x2304xf32>
    %max3A_65 = arith.maximumf %sub3A_63, %max3A_64 : vector<1024x2304xf32>
    %add3A = arith.constant 1.000000e+00 : f32
    %add3A_66 = vector.broadcast %add3A : f32 to vector<1024x2304xf32>
    %add3A_67 = arith.addf %max3A_65, %add3A_66 : vector<1024x2304xf32>
    %bitcast_convert_type3A = tpu.bitcast %add3A_67 : vector<1024x2304xf32> -> vector<1024x2304xi32>
    %and3A = arith.constant -1024 : i32
    %and3A_68 = vector.broadcast %and3A : i32 to vector<1024x2304xi32>
    %and3A_69 = arith.andi %bitcast_convert_type3A, %and3A_68 : vector<1024x2304xi32>
    %or3A = arith.ori %and3A_69, %iota3A : vector<1024x2304xi32>
    %reduce_min3A_70 = arith.constant dense<2147483647> : vector<2304xi32>
    %reduce_min3A_71 = vector.multi_reduction <minsi>, %or3A, %reduce_min3A_70 [0] : vector<1024x2304xi32> to vector<2304xi32>
    %broadcast_in_dim3A_72 = vector.shape_cast %reduce_min3A_71 : vector<2304xi32> to vector<1x2304xi32>
    %eq3A = vector.broadcast %broadcast_in_dim3A_72 : vector<1x2304xi32> to vector<1024x2304xi32>
    %eq3A_73 = arith.cmpi eq, %or3A, %eq3A : vector<1024x2304xi32>
    %jit3A = arith.constant 2147483647 : i32
    %broadcast_in_dim3A_74 = vector.broadcast %jit3A : i32 to vector<1024x2304xi32>
    %select_n3A = arith.select %eq3A_73, %broadcast_in_dim3A_74, %or3A : vector<1024x2304xi1>, vector<1024x2304xi32>
    %reduce_min3A_75 = arith.constant dense<2147483647> : vector<2304xi32>
    %reduce_min3A_76 = vector.multi_reduction <minsi>, %select_n3A, %reduce_min3A_75 [0] : vector<1024x2304xi32> to vector<2304xi32>
    %broadcast_in_dim3A_77 = vector.shape_cast %reduce_min3A_76 : vector<2304xi32> to vector<1x2304xi32>
    %concatenate3A_78 = tpu.concatenate %convert_element_type3A_53, %convert_element_type3A_56, %convert_element_type3A_59 in 1 : vector<1024x64xbf16>, vector<1024x64xbf16>, vector<1024x64xbf16> -> vector<1024x192xbf16>
    %and3A_79 = arith.constant 1023 : i32
    %and3A_80 = vector.broadcast %and3A_79 : i32 to vector<1x2304xi32>
    %and3A_81 = arith.andi %broadcast_in_dim3A_72, %and3A_80 : vector<1x2304xi32>
    %eq3A_82 = vector.broadcast %broadcast_in_dim3A_77 : vector<1x2304xi32> to vector<1024x2304xi32>
    %eq3A_83 = arith.cmpi eq, %select_n3A, %eq3A_82 : vector<1024x2304xi32>
    %and3A_84 = arith.constant 1023 : i32
    %and3A_85 = vector.broadcast %and3A_84 : i32 to vector<1x2304xi32>
    %and3A_86 = arith.andi %broadcast_in_dim3A_77, %and3A_85 : vector<1x2304xi32>
    %convert_element_type3A_87 = arith.extui %eq3A_73 : vector<1024x2304xi1> to vector<1024x2304xi32>
    %convert_element_type3A_88 = arith.sitofp %convert_element_type3A_87 : vector<1024x2304xi32> to vector<1024x2304xf32>
    %convert_element_type3A_89 = arith.truncf %convert_element_type3A_88 : vector<1024x2304xf32> to vector<1024x2304xbf16>
    %dot_general3A_90 = arith.constant dense<0.000000e+00> : vector<192x2304xf32>
    %dot_general3A_91 = tpu.matmul %concatenate3A_78, %convert_element_type3A_89, %dot_general3A_90 {dimension_numbers = #tpu.dot_dimension_numbers<[0], [0], [1], [1], [0, 1, 1, 1], [], []>, transpose_lhs_hint = false} : vector<1024x192xbf16>, vector<1024x2304xbf16>, vector<192x2304xf32> -> vector<192x2304xf32>
    %slice3A = vector.extract_strided_slice %dot_general3A_91 {offsets = [0, 0], sizes = [64, 2304], strides = [1, 1]} : vector<192x2304xf32> to vector<64x2304xf32>
    %slice3A_92 = vector.extract_strided_slice %dot_general3A_91 {offsets = [64, 0], sizes = [64, 2304], strides = [1, 1]} : vector<192x2304xf32> to vector<64x2304xf32>
    %add3A_93 = arith.addf %slice3A, %slice3A_92 : vector<64x2304xf32>
    %slice3A_94 = vector.extract_strided_slice %dot_general3A_91 {offsets = [128, 0], sizes = [64, 2304], strides = [1, 1]} : vector<192x2304xf32> to vector<64x2304xf32>
    %add3A_95 = arith.addf %add3A_93, %slice3A_94 : vector<64x2304xf32>
    %sub3A_96 = arith.subf %concatenate3A, %add3A_95 : vector<64x2304xf32>
    %mul3A_97 = arith.mulf %sub3A_96, %sub3A_96 : vector<64x2304xf32>
    %reduce_sum3A_98 = arith.constant dense<0.000000e+00> : vector<2304xf32>
    %reduce_sum3A_99 = vector.multi_reduction <add>, %mul3A_97, %reduce_sum3A_98 [0] : vector<64x2304xf32> to vector<2304xf32>
    %broadcast_in_dim3A_100 = vector.shape_cast %reduce_sum3A_99 : vector<2304xf32> to vector<1x2304xf32>
    %mul3A_101 = arith.mulf %mul3A_97, %mul3A_97 : vector<64x2304xf32>
    %reduce_sum3A_102 = arith.constant dense<0.000000e+00> : vector<2304xf32>
    %reduce_sum3A_103 = vector.multi_reduction <add>, %mul3A_101, %reduce_sum3A_102 [0] : vector<64x2304xf32> to vector<2304xf32>
    %broadcast_in_dim3A_104 = vector.shape_cast %reduce_sum3A_103 : vector<2304xf32> to vector<1x2304xf32>
    %convert_element_type3A_105 = arith.extui %eq3A_83 : vector<1024x2304xi1> to vector<1024x2304xi32>
    %convert_element_type3A_106 = arith.sitofp %convert_element_type3A_105 : vector<1024x2304xi32> to vector<1024x2304xf32>
    %convert_element_type3A_107 = arith.truncf %convert_element_type3A_106 : vector<1024x2304xf32> to vector<1024x2304xbf16>
    %dot_general3A_108 = arith.constant dense<0.000000e+00> : vector<192x2304xf32>
    %dot_general3A_109 = tpu.matmul %concatenate3A_78, %convert_element_type3A_107, %dot_general3A_108 {dimension_numbers = #tpu.dot_dimension_numbers<[0], [0], [1], [1], [0, 1, 1, 1], [], []>, transpose_lhs_hint = false} : vector<1024x192xbf16>, vector<1024x2304xbf16>, vector<192x2304xf32> -> vector<192x2304xf32>
    %slice3A_110 = vector.extract_strided_slice %dot_general3A_109 {offsets = [0, 0], sizes = [64, 2304], strides = [1, 1]} : vector<192x2304xf32> to vector<64x2304xf32>
    %slice3A_111 = vector.extract_strided_slice %dot_general3A_109 {offsets = [64, 0], sizes = [64, 2304], strides = [1, 1]} : vector<192x2304xf32> to vector<64x2304xf32>
    %add3A_112 = arith.addf %slice3A_110, %slice3A_111 : vector<64x2304xf32>
    %slice3A_113 = vector.extract_strided_slice %dot_general3A_109 {offsets = [128, 0], sizes = [64, 2304], strides = [1, 1]} : vector<192x2304xf32> to vector<64x2304xf32>
    %add3A_114 = arith.addf %add3A_112, %slice3A_113 : vector<64x2304xf32>
    %sub3A_115 = arith.subf %concatenate3A, %add3A_114 : vector<64x2304xf32>
    %mul3A_116 = arith.mulf %sub3A_115, %sub3A_115 : vector<64x2304xf32>
    %reduce_sum3A_117 = arith.constant dense<0.000000e+00> : vector<2304xf32>
    %reduce_sum3A_118 = vector.multi_reduction <add>, %mul3A_116, %reduce_sum3A_117 [0] : vector<64x2304xf32> to vector<2304xf32>
    %broadcast_in_dim3A_119 = vector.shape_cast %reduce_sum3A_118 : vector<2304xf32> to vector<1x2304xf32>
    %mul3A_120 = arith.mulf %mul3A_116, %mul3A_116 : vector<64x2304xf32>
    %reduce_sum3A_121 = arith.constant dense<0.000000e+00> : vector<2304xf32>
    %reduce_sum3A_122 = vector.multi_reduction <add>, %mul3A_120, %reduce_sum3A_121 [0] : vector<64x2304xf32> to vector<2304xf32>
    %broadcast_in_dim3A_123 = vector.shape_cast %reduce_sum3A_122 : vector<2304xf32> to vector<1x2304xf32>
    %lt3A = arith.cmpf olt, %broadcast_in_dim3A_123, %broadcast_in_dim3A_104 : vector<1x2304xf32>
    %eq3A_124 = arith.cmpf oeq, %broadcast_in_dim3A_123, %broadcast_in_dim3A_104 : vector<1x2304xf32>
    %lt3A_125 = arith.cmpi slt, %and3A_86, %and3A_81 : vector<1x2304xi32>
    %and3A_126 = arith.andi %eq3A_124, %lt3A_125 : vector<1x2304xi1>
    %or3A_127 = arith.ori %lt3A, %and3A_126 : vector<1x2304xi1>
    %select_n3A_128 = arith.select %or3A_127, %broadcast_in_dim3A_119, %broadcast_in_dim3A_100 : vector<1x2304xi1>, vector<1x2304xf32>
    %select_n3A_129 = arith.select %or3A_127, %and3A_86, %and3A_81 : vector<1x2304xi1>, vector<1x2304xi32>
    %squeeze3A = vector.shape_cast %select_n3A_129 : vector<1x2304xi32> to vector<2304xi32>
    %swap3A = arith.constant 0 : index
    %swap3A_130 = arith.constant 0 : index
    %swap3A_131 = arith.constant 0 : index
    %swap3A_132 = vector.load %arg3[%swap3A, %swap3A_130, %swap3A_131] : memref<1x1x2304xi32, #tpu.memory_space<vmem>>, vector<1x1x2304xi32>
    %swap3A_133 = vector.shape_cast %swap3A_132 : vector<1x1x2304xi32> to vector<2304xi32>
    %swap3A_134 = vector.shape_cast %squeeze3A : vector<2304xi32> to vector<1x1x2304xi32>
    tpu.vector_store %arg3[%swap3A, %swap3A_130, %swap3A_131], %swap3A_134 {strides = array<i32>} : memref<1x1x2304xi32, #tpu.memory_space<vmem>>, vector<1x1x2304xi32>,
    %reduce_sum3A_135 = vector.shape_cast %select_n3A_128 : vector<1x2304xf32> to vector<1x1x2304xf32>
    %reduce_sum3A_136 = arith.constant dense<0.000000e+00> : vector<1xf32>
    %reduce_sum3A_137 = vector.multi_reduction <add>, %reduce_sum3A_135, %reduce_sum3A_136 [1, 2] : vector<1x1x2304xf32> to vector<1xf32>
    %reduce_sum3A_138 = vector.shape_cast %reduce_sum3A_137 : vector<1xf32> to vector<1x1x1xf32>
    %reduce_sum3A_139 = vector.extract %reduce_sum3A_138[0, 0, 0] : f32 from vector<1x1x1xf32>
    %broadcast_in_dim3A_140 = vector.broadcast %reduce_sum3A_139 : f32 to vector<128xf32>
    %swap3A_141 = arith.constant 0 : index
    %swap3A_142 = arith.constant 0 : index
    %swap3A_143 = arith.constant 0 : index
    %swap3A_144 = vector.load %arg4[%swap3A_141, %swap3A_142, %swap3A_143] : memref<1x1x128xf32, #tpu.memory_space<vmem>>, vector<1x1x128xf32>
    %swap3A_145 = vector.shape_cast %swap3A_144 : vector<1x1x128xf32> to vector<128xf32>
    %swap3A_146 = vector.shape_cast %broadcast_in_dim3A_140 : vector<128xf32> to vector<1x1x128xf32>
    tpu.vector_store %arg4[%swap3A_141, %swap3A_142, %swap3A_143], %swap3A_146 {strides = array<i32>} : memref<1x1x128xf32, #tpu.memory_space<vmem>>, vector<1x1x128xf32>,
    return
  }
  func.func @transform_0(%arg0: i32) -> (i32, i32, i32) {
    %c0_i32 = arith.constant 0 : i32
    %c0_i32_0 = arith.constant 0 : i32
    %c0_i32_1 = arith.constant 0 : i32
    return %arg0, %c0_i32, %c0_i32_0 : i32, i32, i32
  }
  func.func @transform_1(%arg0: i32) -> (i32, i32) {
    %c0_i32 = arith.constant 0 : i32
    %c0_i32_0 = arith.constant 0 : i32
    %c0_i32_1 = arith.constant 0 : i32
    return %c0_i32, %c0_i32_0 : i32, i32
  }
  func.func @transform_2(%arg0: i32) -> (i32, i32, i32) {
    %c0_i32 = arith.constant 0 : i32
    %c0_i32_0 = arith.constant 0 : i32
    %c0_i32_1 = arith.constant 0 : i32
    return %arg0, %c0_i32, %c0_i32_0 : i32, i32, i32
  }
  func.func @transform_3(%arg0: i32) -> (i32, i32, i32) {
    %c0_i32 = arith.constant 0 : i32
    %c0_i32_0 = arith.constant 0 : i32
    %c0_i32_1 = arith.constant 0 : i32
    return %arg0, %c0_i32, %c0_i32_0 : i32, i32, i32
  }
}

</mosaic_0001>

<sc_bundles>
// kernel: kernel.4.cloned.1.call-start
scs
__scs_entry_jumppad:
0x0: {  	(pc) =	sbr.rel $0x88, $3  }
0x1: {  	(tag) =	ssettag $0x0;
	lr =	simm.s32 $0x1  }
0x2: {  	[smem:$0x3F9F] =	sst lr;
	_ =	strace $0xD0000000  }
0x3: {  	_ = 	snop  }
0x4: {  	_ = 	snop  }
0x5: {  	_ = 	snop  }
0x6: {  	_ = 	snop  }
0x7: {  	_ = 	snop  }
__scs_overlays_trampoline_lowered:
0x8: {  	[smem:$0x3FAE] =	sst s0  }
0x9: {  	[smem:$0x3FAF] =	sst s1  }
0xa: {  	[smem:$0x3FB0] =	sst s2  }
0xb: {  	[smem:$0x3FB1] =	sst s3  }
0xc: {  	[smem:$0x3FB2] =	sst s4  }
0xd: {  	[smem:$0x3FB3] =	sst s5  }
0xe: {  	[smem:$0x3FB4] =	sst s6  }
0xf: {  	[smem:$0x3FB5] =	sst s7  }
0x10: {  	[smem:$0x3FB6] =	sst s8  }
0x11: {  	[smem:$0x3FB7] =	sst s9;
	s0 =	simm.s32 @!p0 $0x0  }
0x12: {  	s1 =	sld [smem:$0x3F9D];
	s0 =	simm.s32 @p0 $0x1  }
0x13: {  	[smem:$0x3FB8] =	sst s0;
	s0 =	simm.s32 @!p1 $0x0  }
0x14: {  	s2 =	sld [smem:$0x3F9C];
	s0 =	simm.s32 @p1 $0x1  }
0x15: {  	[smem:$0x3FB9] =	sst s0;
	s0 =	simm.s32 @!p2 $0x0  }
0x16: {  	s3 =	sld [smem:$0x3FDB];
	s0 =	simm.s32 @p2 $0x1  }
0x17: {  	s4 =	simm.s32 $0x1BF5;
	[smem:$0x3FBB] =	sst s0  }
0x18: {  	s0 =	sld [smem:$0x3F9E];
	_ =	swait.ge [sflag:s4], $0x0  }
0x19: {  	s7 =	sld [smem:$0x3F9F]  }
0x1a: {  	s8 =	sadd.s32 $0xFFFFE003, lr  }
0x1b: {  	s9 =	sadd.s32 $0xFFFFFEF7, lr;
	s5 =	simm.s32 $0xFFFFFFFF;
	p2 =	slt.u32 s8, $0xFFFFF086  }
0x1c: {  	p1 =	slt.u32 s9, $0xF7A;
	s5 =	simm.s32 @!p2 $0x0  }
0x1d: {  	s5 =	simm.s32 @p1 $0x1;
	p0 =	seq.s32 s7, s2  }
0x1e: {  	s7 =	smul.u32 @!p0 $0xF7A, s2;
	p2 =	seq.s32 @!p0 s5, $0x0  }
0x1f: {  	s9 =	smul.u32 $0xF7A, s1;
	s8 =	simm.s32 @!p0 $0x1BF5;
	p2 =	por !p2, p0  }
0x20: {  	[sflag:s8] =	ssyncset.s32 @!p0 $0xFFFFF086;
	s6 =	sadd.s32 @!p0 s3, s7;
	s7 =	simm.s32 @!p0 $0x108  }
0x21: {  	s3 =	sadd.s32 s3, s9;
	s6 =	sadd.s32 @!p0 $0x88, s6;
	s7 =	simm.s32 @p2 $0x1082  }
0x22: {  	[simem:s7], [sflag:s8] =	dma.local @!p0 [hbm:s6], $0xF7A  }
0x23: {  	s9 =	sor.u32 $0xD0000000, s2;
	s6 =	simm.s32 $0x108;
	_ =	swait.ge @!p0 [sflag:s8], $0x0  }
0x24: {  	s3 =	sadd.s32 $0x88, s3;
	s6 =	simm.s32 @!p1 $0x1082;
	[sflag:s4] =	ssyncset.s32 $0xFFFFF086  }
0x25: {  	[simem:s6], [sflag:s4] =	dma.local [hbm:s3], $0xF7A  }
0x26: {  	[smem:$0x3F9F] =	sst s1;
	(tag) =	ssettag s2;
	_ =	strace s9  }
0x27: {  	s1 =	sld [smem:$0x3FAF]  }
0x28: {  	s2 =	sld [smem:$0x3FB0]  }
0x29: {  	s4 =	sld [smem:$0x3FB2]  }
0x2a: {  	p0 =	seq.s32 s5, $0x0;
	s5 =	sld [smem:$0x3FB3]  }
0x2b: {  	s6 =	sld [smem:$0x3FB4]  }
0x2c: {  	s7 =	sld [smem:$0x3FB5]  }
0x2d: {  	s3 =	simm.s32 $0x108;
	s8 =	sld [smem:$0x3FB6]  }
0x2e: {  	s3 =	simm.s32 @!p0 $0x1082;
	s9 =	sld [smem:$0x3FB7]  }
0x2f: {  	lr =	sadd.s32 s0, s3;
	s0 =	sld [smem:$0x3FAE]  }
0x30: {  	s3 =	sld [smem:$0x3FB1]  }
0x31: {  	[smem:$0x3FBA] =	sst s10  }
0x32: {  	s10 =	sld [smem:$0x3FB8];
	_ =	sdelay $0x3  }
0x33: {  	p0 =	seq.s32 s10, $0x1;
	s10 =	sld [smem:$0x3FBA];
	_ =	sdelay $0x3  }
0x34: {  	[smem:$0x3FBA] =	sst s10  }
0x35: {  	s10 =	sld [smem:$0x3FB9];
	_ =	sdelay $0x3  }
0x36: {  	p1 =	seq.s32 s10, $0x1;
	s10 =	sld [smem:$0x3FBA];
	_ =	sdelay $0x3  }
0x37: {  	[smem:$0x3FBA] =	sst s10  }
0x38: {  	s10 =	sld [smem:$0x3FBB]  }
0x39: {  	_ = 	snop;
	(pc) =	sbr.ind lr, $3  }
0x3a: {  	_ = 	snop  }
0x3b: {  	_ = 	snop  }
0x3c: {  	p2 =	seq.s32 s10, $0x1;
	s10 =	sld [smem:$0x3FBA]  }
0x3d: {  	_ =	shalt  }
0x3e: {  	_ =	shalt  }
0x3f: {  	_ =	shalt  }
0x40: {  	_ =	shalt  }
0x41: {  	_ =	shalt  }
0x42: {  	_ =	shalt  }
0x43: {  	_ =	shalt  }
0x44: {  	_ =	shalt  }
0x45: {  	_ =	shalt  }
0x46: {  	_ =	shalt  }
0x47: {  	_ =	shalt  }
0x48: {  	_ =	shalt  }
0x49: {  	_ =	shalt  }
0x4a: {  	_ =	shalt  }
0x4b: {  	_ =	shalt  }
0x4c: {  	_ =	shalt  }
0x4d: {  	_ =	shalt  }
0x4e: {  	_ =	shalt  }
0x4f: {  	_ =	shalt  }
0x50: {  	_ =	shalt  }
0x51: {  	_ =	shalt  }
0x52: {  	_ =	shalt  }
0x53: {  	_ =	shalt  }
0x54: {  	_ =	shalt  }
0x55: {  	_ =	shalt  }
0x56: {  	_ =	shalt  }
0x57: {  	_ =	shalt  }
0x58: {  	_ =	shalt  }
0x59: {  	_ =	shalt  }
0x5a: {  	_ =	shalt  }
0x5b: {  	_ =	shalt  }
0x5c: {  	_ =	shalt  }
0x5d: {  	_ =	shalt  }
0x5e: {  	_ =	shalt  }
0x5f: {  	_ =	shalt  }
0x60: {  	_ =	shalt  }
0x61: {  	_ =	shalt  }
0x62: {  	_ =	shalt  }
0x63: {  	_ =	shalt  }
0x64: {  	_ =	shalt  }
0x65: {  	_ =	shalt  }
0x66: {  	_ =	shalt  }
0x67: {  	_ =	shalt  }
0x68: {  	_ =	shalt  }
0x69: {  	_ =	shalt  }
0x6a: {  	_ =	shalt  }
0x6b: {  	_ =	shalt  }
0x6c: {  	_ =	shalt  }
0x6d: {  	_ =	shalt  }
0x6e: {  	_ =	shalt  }
0x6f: {  	_ =	shalt  }
0x70: {  	_ =	shalt  }
0x71: {  	_ =	shalt  }
0x72: {  	_ =	shalt  }
0x73: {  	_ =	shalt  }
0x74: {  	_ =	shalt  }
0x75: {  	_ =	shalt  }
0x76: {  	_ =	shalt  }
0x77: {  	_ =	shalt  }
0x78: {  	_ =	shalt  }
0x79: {  	_ =	shalt  }
0x7a: {  	_ =	shalt  }
0x7b: {  	_ =	shalt  }
0x7c: {  	_ =	shalt  }
0x7d: {  	_ =	shalt  }
0x7e: {  	_ =	shalt  }
0x7f: {  	_ =	shalt  }
0x80: {  	_ =	shalt  }
0x81: {  	_ =	shalt  }
0x82: {  	_ =	shalt  }
0x83: {  	_ =	shalt  }
0x84: {  	_ =	shalt  }
0x85: {  	_ =	shalt  }
0x86: {  	_ =	shalt  }
0x87: {  	_ =	shalt  }
.Lfunc_end0:
.L_simem_size_0:
called_computation_lowered:
.L_overlay_start_0:
0x88: {  	s2 =	sld [smem:$0x3FD9]  }
0x89: {  	s3 =	sld [smem:$0x3FFE];
	_ =	sdelay $0x1  }
0x8a: {  	s1 =	srdreg.scid  }
0x8b: {  	s0 =	sand.u32 $0x1, s1  }
0x8c: {  	s14 =	sshll.u32 s0, $0xA;
	s2 =	sadd.s32 s3, s2  }
0x8d: {  	s2 =	sadd.s32 s2, s14  }
0x8e: {  	[smem:$0x3FC6] =	sst s2  }
0x8f: {  	_ = 	snop  }
0x90: {  	s2 =	sld [smem:$0x3FD0];
	_ =	sdelay $0x2  }
0x91: {  	s15 =	simm.s32 $0xA;
	s4 =	simm.s32 $0x10  }
0x92: {  	[smem:s4], [sflag:s15] =	dma.local [hbm:s2], $0x1  }
0x93: {  	_ =	swait.eq [sflag:s15], $0x1  }
0x94: {  	[sflag:s15] =	ssyncset.done $0x0  }
0x95: {  	[sflag:s15] =	ssyncadd.s32 $0xFFFFFFFF  }
0x96: {  	s16 =	sld [smem:$0x10];
	(tm) =	ssettm $0x1  }
0x97: {  	s17 =	sld [smem:$0x3FFB];
	_ =	sdelay $0x3  }
0x98: {  	_ =	strace s17  }
0x99: {  	s3 =	sld [smem:$0x3FFC];
	_ =	sdelay $0x3  }
0x9a: {  	_ =	strace s3  }
0x9b: {  	s3 =	sld [smem:$0x3FFD];
	_ =	sdelay $0x3  }
0x9c: {  	_ =	strace s3  }
0x9d: {  	_ =	strace $0x8FFFFFFF  }
0x9e: {  	s18 =	sld [smem:$0x3FDB];
	_ =	sdelay $0x1  }
0x9f: {  	s19 =	simm.s32 $_scs_section_size  }
0xa0: {  	s5 =	simm.s32 $_size__tile_overlayer_lowered;
	s6 =	simm.s32 $_tile_overlayer_lowered  }
0xa1: {  	s22 =	simm.s32 $0x1BFF;
	s21 =	sshll.u32 s6, $0x1;
	s3 =	sadd.s32 s19, s18  }
0xa2: {  	s7 =	simm.s32 $0x0;
	s20 =	sshll.u32 s5, $0x1;
	s5 =	sadd.s32 s21, s3  }
0xa3: {  	[timem:s7], [sflag:s22] =	dma.local [hbm:s5], s20  }
0xa4: {  	_ =	swait.ge [sflag:s22], s20  }
0xa5: {  	s4 =	ssub.s32 $0x0, s20;
	[sflag:s22] =	ssyncset.done $0x0  }
0xa6: {  	[sflag:s22] =	ssyncadd.s32 s4;
	_ =	sdelay $0x1  }
0xa7: {  	s23 =	simm.s32 $0x1B8B  }
0xa8: {  	_ =	swait.ge [sflag:s23], $0x1  }
0xa9: {  	[sflag:s23] =	ssyncset.done $0x0  }
0xaa: {  	s25 =	simm.s32 $0x1B8E;
	s24 =	sld [smem:$0x3FFE];
	[sflag:s23] =	ssyncadd.s32 $0xFFFFFFFF  }
0xab: {  	s26 =	simm.s32 $execute0_lowered;
	[smem:$0x3FD2] =	sst s25  }
0xac: {  	s5 =	sshll.u32 s26, $0x1;
	_ =	strace $0x80000046;
	[dreg:$0x1] =	wrdreg $0xFFFFFFFF  }
0xad: {  	s28 =	simm.s32 $_size_execute0_lowered;
	s3 =	sadd.s32 s3, s5;
	[dreg:$0x0] =	wrdreg $0x0  }
0xae: {  	s5 =	sshll.u32 s28, $0x1;
	[dreg:$0x2] =	wrdreg s3  }
0xaf: {  	[dreg:$0x3] =	wrdreg s5  }
0xb0: {  	[dreg:$0x4] =	wrdreg $0xC0  }
0xb1: {  	_ =	task [dreg:s7], $0x5FFFF  }
0xb2: {  	[dreg:$0x1] =	wrdreg $0xFFFFFFFF  }
0xb3: {  	[dreg:$0x0] =	wrdreg $0x60  }
0xb4: {  	[dreg:$0x2] =	wrdreg s16  }
0xb5: {  	[dreg:$0x3] =	wrdreg s24  }
0xb6: {  	[dreg:$0x4] =	wrdreg $0x9  }
0xb7: {  	_ =	task.clear_ibuf [dreg:s7], $0x5FFFF;
	_ =	strace $0x90000046  }
0xb8: {  	s29 =	simm.s32 $0x9;
	_ =	strace $0x80000048  }
0xb9: {  	_ =	swait.ge [sflag:s29], $0x1  }
0xba: {  	[sflag:s29] =	ssyncadd.s32 $0xFFFFFFFF  }
0xbb: {  	_ =	strace $0x90000048  }
0xbc: {  	_ =	sfence  }
0xbd: {  	s30 =	sld [smem:$0x0];
	_ =	sdelay $0x2  }
0xbe: {  	s31 =	sshll.u32 s1, $0xD;
	s1 =	sshrl.u32 s1, $0x2  }
0xbf: {  	s3 =	sand.u32 $0x4000, s31;
	s1 =	sadd.s32 s1, s30  }
0xc0: {  	s0 =	sor.u32 s3, s0;
	s1 =	sshll.u32 s1, $0x11  }
0xc1: {  	s0 =	sor.u32 s1, s0  }
0xc2: {  	s0 =	sadd.s32 $0x8F2B, s0  }
0xc3: {  	[sflag:s0] =	ssyncadd.remote.s32 $0x1  }
0xc4: {  	_ =	sfence.sel $0xFFFF  }
0xc5: {  	[dreg:$0x0] =	wrdreg $0xFFFFFFFF;
	(pc) =	sbr.abs _section_cstart, $3  }
0xc6: {  	[dreg:$0x1] =	wrdreg $0xFFFFFFFF  }
0xc7: {  	_ =	task.clear_ibuf [dreg:s7], $0x2FFFF;
	_ =	strace $0x9FFFFFFF  }
0xc8: {  	(tm) =	ssettm $0x7FFFFFFF  }
0xc9: {  	_ =	shalt  }
tec
execute0_lowered:
.L_overlay_start_1:
0x0: {  	(tag) =	ssettag $0x1  }
0x1: {  	s1 =	srdreg.scid;
	s0 =	stileid.u32  }
0x2: {  	s2 =	rddreg [dreg:$0x0];
	s6 =	sand.u32 $0x1, s1;
	s30 =	sshll.u32 s0, $0x1  }
0x3: {  	s8 =	rddreg [dreg:$0x1];
	s3 =	simm.s32 $0x0;
	s7 =	sor.u32 s6, s30  }
0x4: {  	[smem:$0x7FF] =	sst s3;
	s4 =	smul.u32 $0x24, s7  }
0x5: {  	s1 =	rddreg [dreg:$0x2];
	_ =	strace $0x80000047;
	s10 =	ssub.s32 $0x2, s6  }
0x6: {  	s6 =	simm.s32 $0x120;
	s5 =	sadd.s32 s8, s4;
	s4 =	simm.s32 $0x2  }
0x7: {  	[tilespmem:s3], [sflag:$0x2] =	stream.linear.gather [hbm4b:s5+s3], $0x120, $0x38;
	[tilespmem:$0x4920] =	vst v63  }
0x8: {  	s9 =	smul.u32 $0x900, s7;
	s11 =	sshrl.u32 s10, $0x1;
	_ =	swait.ge [sflag:s4], $0x120  }
0x9: {  	s7 =	simm.s32 $0x1;
	s31 =	ssub.s32 s10, s11;
	[sflag:s4] =	ssyncset.done $0x0  }
0xa: {  	s8 =	sadd.s32 s9, s8;
	s9 =	smax.u32 s31, $0x1;
	[sflag:s4] =	ssyncadd.s32 $0xFFFFFEE0  }
0xb: {  	[tilespmem:s6], [sflag:$0x1] =	stream.indirect.gather [hbm4b:s2+s6], $0x40, s3, s6, $0xb8;
	[tilespmem:$0x4920] =	vst v63  }
0xc: {  	p0 =	sne.s32 s9, $0x1;
	_ =	swait.ge [sflag:s7], $0x4800  }
.Ltmp0:
0xd: {  	[sflag:s7] =	ssyncset.done $0x0;
	(pc) =	sbr.rel @!p0 .LBB2_2-.Ltmp0, $4  }
0xe: {  	s8 =	sadd.s32 $0x600, s8;
	[sflag:s7] =	ssyncadd.s32 $0xFFFFB800  }
0xf: {  	[hbm4b:s8+s3] =	stream.linear.scatter [tilespmem:s6], [sflag:$0x2], $0x4800, $0x38;
	[tilespmem:$0x4920] =	vst v63  }
0x10: {  	_ =	swait.ge [sflag:s4], $0x4800  }
0x11: {  	s9 =	sadd.s32 $0xFFFFFFFF, s9;
	[sflag:s4] =	ssyncset.done $0x0  }
.LBB2_1:
0x12: {  	p0 =	sne.s32 s9, $0x1;
	s9 =	sadd.s32 $0xFFFFFFFF, s9;
	[sflag:s4] =	ssyncadd.s32 $0xFFFFB800  }
0x13: {  	[tilespmem:s3], [sflag:$0x2] =	stream.linear.gather [hbm4b:s5+s3], $0x120, $0x38;
	[tilespmem:$0x4920] =	vst v63  }
0x14: {  	_ =	swait.ge [sflag:s4], $0x120  }
0x15: {  	[sflag:s4] =	ssyncset.done $0x0  }
0x16: {  	[sflag:s4] =	ssyncadd.s32 $0xFFFFFEE0  }
0x17: {  	[tilespmem:s6], [sflag:$0x1] =	stream.indirect.gather [hbm4b:s2+s6], $0x40, s3, s6, $0xb8;
	[tilespmem:$0x4920] =	vst v63  }
0x18: {  	_ =	swait.ge [sflag:s7], $0x4800  }
.Ltmp1:
0x19: {  	[sflag:s7] =	ssyncset.done $0x0;
	(pc) =	sbr.rel @p0 .LBB2_1-.Ltmp1, $4  }
0x1a: {  	[sflag:s7] =	ssyncadd.s32 $0xFFFFB800  }
0x1b: {  	[hbm4b:s8+s3] =	stream.linear.scatter [tilespmem:s6], [sflag:$0x2], $0x4800, $0x38;
	[tilespmem:$0x4920] =	vst v63  }
0x1c: {  	_ =	swait.ge [sflag:s4], $0x4800  }
0x1d: {  	[sflag:s4] =	ssyncset.done $0x0  }
.LBB2_2:
0x1e: {  	[sflag:s4] =	ssyncadd.s32 $0xFFFFB800  }
0x1f: {  	_ =	sfence.sel $0x180000  }
0x20: {  	[bflag:$0x0] =	sbarrier.arrive $0xFFFF  }
0x21: {  	p0 =	sne.s32 s0, $0x0;
	_ =	strace $0x90000047  }
0x22: {  	s0 =	sadd.s32 @!p0 $0x100000, s1;
	[bflag:$0x2] =	sbarrier.arrive $0xFFFF  }
0x23: {  	[sflag:s0] =	ssyncadd.tile.s32 @!p0 $0x1;
	_ =	shalt  }
.Lfunc_end2:
_tile_overlayer_lowered:
.L_overlay_start_2:
0x24: {  	(tag) =	ssettag $0x2  }
0x25: {  	s0 =	rddreg [dreg:$0x0];
	s2 =	stileid.u32  }
0x26: {  	s1 =	rddreg [dreg:$0x1];
	p0 =	sne.s32 s2, $0x0  }
0x27: {  	s3 =	rddreg [dreg:$0x2];
	[bflag:$0x3] =	sbarrier.arrive $0xFFFF;
	s2 =	simm.s32 @!p0 $0x1C02  }
0x28: {  	[timem:s3], [sflag:s2] =	dma.local @!p0 [hbm:s0], s1  }
0x29: {  	s0 =	simm.s32 @!p0 $0x2  }
0x2a: {  	_ =	swait.ge @!p0 [sflag:s0], s1  }
0x2b: {  	s1 =	ssub.s32 @!p0 $0x0, s1;
	[sflag:s0] =	ssyncset.done @!p0 $0x0  }
0x2c: {  	[sflag:s0] =	ssyncadd.s32 @!p0 s1  }
0x2d: {  	[bflag:$0x3] =	sbarrier.arrive $0xFFFF  }
0x2e: {  	_ =	shalt  }

</sc_bundles>
